<compile_context>
chip_gen: v7x
topology: tpu7x:2x2x1
jax: 0.10.2.dev20260603
libtpu: 0.0.44.dev20260713+nightly
codegen_flags: <defaults>
</compile_context>

<pallas_src>
import jax
import jax.numpy as jnp
from jax import lax
from jax.experimental import pallas as pl
from jax.experimental.pallas import tpu as pltpu
from jax.experimental.pallas import tpu_sc as plsc

N = 10000
NP = 10240
D = 128
E = 320000
NSEED = 3000
NSEED_PAD = 3072

NC = 2
NS = 16

ROWS_PER_TILE = NP // NS
EDGES_PER_TILE = E // NS
CHUNK = 2000
NCHUNK = EDGES_PER_TILE // CHUNK
DEGW = 16
SEEDS_PER_TILE = 2 * NSEED_PAD // (NC * NS)

PCHUNK = 128
E_PAD = 327680
PADE = E_PAD - E
IDX_ROWS = 2 * E_PAD // PCHUNK
CROWS = IDX_ROWS // NC
TROWS = CROWS // NS
IB = 8
NBLK = TROWS // IB
TOTBLK = IDX_ROWS // IB
BLK_PER_TILE = NBLK

_sc_mesh = plsc.VectorSubcoreMesh(core_axis_name="c", subcore_axis_name="s")



def _deg_body(dst_hbm, zeros_hbm, ones_hbm, out_hbm, acc, ones_v, idx_v):
    c = lax.axis_index("c")
    s = lax.axis_index("s")
    r0 = s * ROWS_PER_TILE

    pltpu.sync_copy(ones_hbm, ones_v)
    pltpu.sync_copy(zeros_hbm.at[pl.ds(r0, ROWS_PER_TILE)],
                    acc.at[pl.ds(r0, ROWS_PER_TILE)])
    plsc.subcore_barrier()

    def body(k, carry):
        base = pl.multiple_of(c * E + s * EDGES_PER_TILE + k * CHUNK, 8)
        pltpu.sync_copy(dst_hbm.at[pl.ds(base, CHUNK)], idx_v)
        pltpu.sync_copy(ones_v, acc.at[idx_v], add=True)
        return carry

    lax.fori_loop(0, NCHUNK, body, 0)
    plsc.subcore_barrier()
    pltpu.sync_copy(acc.at[pl.ds(r0, ROWS_PER_TILE)],
                    out_hbm.at[pl.ds(c * NP + r0, ROWS_PER_TILE)])


@jax.jit
def _deg_call(dst_all):
    zeros = jnp.zeros((NP, DEGW), jnp.float32)
    ones = jnp.ones((CHUNK, DEGW), jnp.float32)
    return pl.kernel(
        _deg_body,
        out_type=[jax.ShapeDtypeStruct((2 * NP, DEGW), jnp.float32)],
        mesh=_sc_mesh,
        compiler_params=pltpu.CompilerParams(use_tc_tiling_on_sc=False),
        scratch_types=[
            pltpu.VMEM_SHARED((NP, DEGW), jnp.float32),
            pltpu.VMEM((CHUNK, DEGW), jnp.float32),
            pltpu.VMEM((CHUNK,), jnp.int32),
        ],
    )(dst_all, zeros, ones)[0]



def _prop_body(u_hbm, idx_hbm, out_hbm,
               acc, rows_a, rows_b, idx_v, sem_a, sem_b,
               ssem_a, ssem_b, isem):
    c = lax.axis_index("c")
    s = lax.axis_index("s")
    r0 = s * ROWS_PER_TILE

    blk0 = c * (NS * BLK_PER_TILE) + s * BLK_PER_TILE
    base0 = pl.multiple_of(blk0 * (2 * IB), 8)
    pltpu.async_copy(idx_hbm.at[pl.ds(base0, 2 * IB)], idx_v, isem)

    pltpu.sync_copy(u_hbm.at[pl.ds(c * NP + r0, ROWS_PER_TILE)],
                    acc.at[pl.ds(r0, ROWS_PER_TILE)])
    plsc.subcore_barrier()

    rows = (rows_a, rows_b)
    sems = (sem_a, sem_b)
    ssems = (ssem_a, ssem_b)
    max_base = (TOTBLK - 1) * (2 * IB)

    def outer(k, carry):
        base = pl.multiple_of((blk0 + k) * (2 * IB), 8)
        pltpu.make_async_copy(
            idx_hbm.at[pl.ds(base, 2 * IB)], idx_v, isem).wait()
        g = [pltpu.async_copy(u_hbm.at[idx_v.at[0]], rows[0], sems[0]),
             None]
        sc = [None, None]
        for j in range(IB):
            b = j % 2
            nb = (j + 1) % 2
            g[b].wait()
            sc[b] = pltpu.async_copy(rows[b], acc.at[idx_v.at[IB + j]],
                                     ssems[b], add=True)
            if j + 1 < IB:
                if sc[nb] is not None:
                    sc[nb].wait()
                g[nb] = pltpu.async_copy(
                    u_hbm.at[idx_v.at[j + 1]], rows[nb], sems[nb])
        sc[0].wait()
        sc[1].wait()
        nbase = pl.multiple_of(
            jnp.minimum((blk0 + k + 1) * (2 * IB), max_base), 8)
        pltpu.async_copy(idx_hbm.at[pl.ds(nbase, 2 * IB)], idx_v, isem)
        return carry

    lax.fori_loop(0, NBLK, outer, 0)
    pltpu.make_async_copy(
        idx_hbm.at[pl.ds(pl.multiple_of(max_base, 8), 2 * IB)],
        idx_v, isem).wait()
    plsc.subcore_barrier()
    pltpu.sync_copy(acc.at[pl.ds(r0, ROWS_PER_TILE)],
                    out_hbm.at[pl.ds(c * NP + r0, ROWS_PER_TILE)])


@jax.jit
def _prop_call(u_all, idx_comb):
    return pl.kernel(
        _prop_body,
        out_type=[jax.ShapeDtypeStruct((2 * NP, D), jnp.float32)],
        mesh=_sc_mesh,
        scratch_types=[
            pltpu.VMEM_SHARED((NP, D), jnp.float32),
            pltpu.VMEM((PCHUNK, D), jnp.float32),
            pltpu.VMEM((PCHUNK, D), jnp.float32),
            pltpu.VMEM((2 * IB, PCHUNK), jnp.int32),
            pltpu.SemaphoreType.DMA,
            pltpu.SemaphoreType.DMA,
            pltpu.SemaphoreType.DMA,
            pltpu.SemaphoreType.DMA,
            pltpu.SemaphoreType.DMA,
        ],
    )(u_all, idx_comb)[0]



def _seed_body(ent_hbm, seeds_hbm, out_hbm, idx_v, rows_v, gsem):
    c = lax.axis_index("c")
    s = lax.axis_index("s")
    base = (c * NS + s) * SEEDS_PER_TILE

    pltpu.sync_copy(seeds_hbm.at[pl.ds(base, SEEDS_PER_TILE)], idx_v)
    pltpu.async_copy(ent_hbm.at[idx_v], rows_v, gsem).wait()
    pltpu.sync_copy(rows_v, out_hbm.at[pl.ds(base, SEEDS_PER_TILE)])


@jax.jit
def _seed_call(ent_all, seeds_all):
    return pl.kernel(
        _seed_body,
        out_type=[jax.ShapeDtypeStruct((2 * NSEED_PAD, D), jnp.float32)],
        mesh=_sc_mesh,
        scratch_types=[
            pltpu.VMEM((SEEDS_PER_TILE,), jnp.int32),
            pltpu.VMEM((SEEDS_PER_TILE, D), jnp.float32),
            pltpu.SemaphoreType.DMA,
        ],
    )(ent_all, seeds_all)[0]



_BLK = 2048


def _dis(deg_ref):
    deg = deg_ref[:, 0:1] + 1.0
    return lax.rsqrt(deg)


def _mm0_body(deg_ref, x_ref, w_ref, o_ref):
    o_ref[...] = jnp.dot(x_ref[...], w_ref[...],
                         preferred_element_type=jnp.float32) * _dis(deg_ref)


def _mm1_body(deg_ref, s_ref, w_ref, o_ref):
    dis = _dis(deg_ref)
    h = jnp.maximum(s_ref[...] * dis, 0.0)
    o_ref[...] = jnp.dot(h, w_ref[...],
                         preferred_element_type=jnp.float32) * dis


def _fin_body(s_ref, o_ref):
    y = s_ref[...]
    nrm = jnp.sqrt(jnp.sum(y * y, axis=1, keepdims=True))
    o_ref[...] = y / jnp.maximum(nrm, 1e-12)


_row_spec = pl.BlockSpec((_BLK, D), lambda i: (i, 0))
_deg_spec = pl.BlockSpec((_BLK, DEGW), lambda i: (i, 0))
_w_spec = pl.BlockSpec((D, D), lambda i: (0, 0))
_out_struct = jax.ShapeDtypeStruct((2 * NP, D), jnp.float32)
_GRID = (2 * NP // _BLK,)


@jax.jit
def _mm0_call(deg16, x, w):
    return pl.pallas_call(
        _mm0_body,
        grid=_GRID,
        in_specs=[_deg_spec, _row_spec, _w_spec],
        out_specs=_row_spec,
        out_shape=_out_struct,
    )(deg16, x, w)


@jax.jit
def _mm1_call(deg16, s, w):
    return pl.pallas_call(
        _mm1_body,
        grid=_GRID,
        in_specs=[_deg_spec, _row_spec, _w_spec],
        out_specs=_row_spec,
        out_shape=_out_struct,
    )(deg16, s, w)


@jax.jit
def _fin_call(s):
    return pl.pallas_call(
        _fin_body,
        grid=_GRID,
        in_specs=[_row_spec],
        out_specs=_row_spec,
        out_shape=_out_struct,
    )(s)



@jax.jit
def kernel(feats_sr, feats_tg, W0, W1, edges_sr, edges_tg,
           sr_ent_seeds, tg_ent_seeds):
    dst_all = jnp.concatenate([edges_sr[:, 1], edges_tg[:, 1]])

    dead = N + (jnp.arange(PADE, dtype=jnp.int32) % (NP - N))
    src3 = jnp.concatenate(
        [edges_sr[:, 0], dead, edges_tg[:, 0] + NP, dead + NP]
    ).reshape(TOTBLK, IB, PCHUNK)
    dst3 = jnp.concatenate(
        [edges_sr[:, 1], dead, edges_tg[:, 1], dead]
    ).reshape(TOTBLK, IB, PCHUNK)
    idx_comb = jnp.concatenate([src3, dst3], axis=1).reshape(
        TOTBLK * 2 * IB, PCHUNK)

    pad = ((0, NP - N), (0, 0))
    feats_all = jnp.concatenate(
        [jnp.pad(feats_sr, pad), jnp.pad(feats_tg, pad)])

    deg_all = _deg_call(dst_all)

    u0 = _mm0_call(deg_all, feats_all, W0)
    s0 = _prop_call(u0, idx_comb)
    u1 = _mm1_call(deg_all, s0, W1)
    s1 = _prop_call(u1, idx_comb)
    ent_all = _fin_call(s1)

    spad = (0, NSEED_PAD - NSEED)
    seeds_all = jnp.concatenate(
        [jnp.pad(sr_ent_seeds.astype(jnp.int32), spad),
         jnp.pad(tg_ent_seeds.astype(jnp.int32), spad) + NP])
    seed_all = _seed_call(ent_all, seeds_all)

    return (seed_all[:NSEED], seed_all[NSEED_PAD:NSEED_PAD + NSEED],
            ent_all[:N], ent_all[NP:NP + N])

# --- scband reference (transcript-rebuilt; emitter-appended) ---
"""Pipeline reference for scband-structure-embed-3908420239568 (READ-ONLY COPY).

The authoritative reference and input builder live on the scoring server;
editing this copy changes nothing except your own understanding.
"""

import jax, jax.numpy as jnp
import numpy as np

ENT_SR = 10000
ENT_TG = 10000
DIM = 128
E = 320000
N_SEED = 3000
LAYER_NUM = 2


def _gcn_forward(edges, feats, Ws):
    # edges: [E, 2] int (src, dst); feats: [n, d]; Ws: list of [d, d]
    n = feats.shape[0]
    src = edges[:, 0]
    dst = edges[:, 1]
    loops = jnp.arange(n, dtype=src.dtype)
    src = jnp.concatenate([src, loops])
    dst = jnp.concatenate([dst, loops])
    ones = jnp.ones(src.shape[0], dtype=jnp.float32)
    deg = jax.ops.segment_sum(ones, dst, num_segments=n)
    deg_inv_sqrt = jax.lax.rsqrt(jnp.maximum(deg, 1e-12))
    norm = deg_inv_sqrt[src] * deg_inv_sqrt[dst]
    h = feats
    for i, W in enumerate(Ws):
        h = h @ W
        msg = jnp.take(h, src, axis=0) * norm[:, None]
        h = jax.ops.segment_sum(msg, dst, num_segments=n)
        if i < len(Ws) - 1:
            h = jax.nn.relu(h)
    return h


def _l2norm(x):
    return x / jnp.maximum(jnp.linalg.norm(x, axis=-1, keepdims=True), 1e-12)


def setup_inputs(seed: int = 0) -> dict:
    key = jax.random.key(seed)
    ks = jax.random.split(key, 8)
    # xavier_uniform over the full (ent_num_sr+ent_num_tg, dim) table
    lim = float(np.sqrt(6.0 / (ENT_SR + ENT_TG + DIM)))
    feats_all = jax.random.uniform(ks[0], (ENT_SR + ENT_TG, DIM), minval=-lim, maxval=lim, dtype=jnp.float32)
    feats_sr = feats_all[:ENT_SR]
    feats_tg = feats_all[ENT_SR:]
    lim_w = float(np.sqrt(6.0 / (DIM + DIM)))
    W0 = jax.random.uniform(ks[1], (DIM, DIM), minval=-lim_w, maxval=lim_w, dtype=jnp.float32)
    W1 = jax.random.uniform(ks[2], (DIM, DIM), minval=-lim_w, maxval=lim_w, dtype=jnp.float32)
    edges_sr = jax.random.randint(ks[3], (E, 2), 0, ENT_SR, dtype=jnp.int32)
    edges_tg = jax.random.randint(ks[4], (E, 2), 0, ENT_TG, dtype=jnp.int32)
    sr_ent_seeds = jax.random.randint(ks[5], (N_SEED,), 0, ENT_SR, dtype=jnp.int32)
    tg_ent_seeds = jax.random.randint(ks[6], (N_SEED,), 0, ENT_TG, dtype=jnp.int32)
    return {
        "feats_sr": feats_sr,
        "feats_tg": feats_tg,
        "W0": W0,
        "W1": W1,
        "edges_sr": edges_sr,
        "edges_tg": edges_tg,
        "sr_ent_seeds": sr_ent_seeds,
        "tg_ent_seeds": tg_ent_seeds,
    }


def reference(feats_sr, feats_tg, W0, W1, edges_sr, edges_tg, sr_ent_seeds, tg_ent_seeds):
    Ws = [W0, W1]
    sr_ent_hid = _gcn_forward(edges_sr, feats_sr, Ws)
    tg_ent_hid = _gcn_forward(edges_tg, feats_tg, Ws)
    sr_ent_hid = _l2norm(sr_ent_hid)
    tg_ent_hid = _l2norm(tg_ent_hid)
    sr_seed_hid = jnp.take(sr_ent_hid, sr_ent_seeds.astype(jnp.int32), axis=0)
    tg_seed_hid = jnp.take(tg_ent_hid, tg_ent_seeds.astype(jnp.int32), axis=0)
    return (sr_seed_hid, tg_seed_hid, sr_ent_hid, tg_ent_hid)

if __name__ == "__main__":
    import jax
    _d = setup_inputs()
    print(jax.jit(kernel)(*tuple(_d.values())))

</pallas_src>

<mosaic_0001>
#map = affine_map<(d0, d1) -> (0)>
#map1 = affine_map<(d0, d1) -> (0, 0)>
module attributes {stable_mosaic.version = 14 : i64} {
  func.func @_deg_body(%arg0: i32, %arg1: i32, %arg2: memref<640000xi32, #tpu.memory_space<hbm>>, %arg3: memref<10240x16xf32, #tpu.memory_space<hbm>>, %arg4: memref<2000x16xf32, #tpu.memory_space<hbm>>, %arg5: memref<20480x16xf32, #tpu.memory_space<hbm>>, %arg6: memref<10240x16xf32, #tpu.memory_space<vmem_shared>>, %arg7: memref<2000x16xf32, #tpu.memory_space<vmem>>, %arg8: memref<2000xi32, #tpu.memory_space<vmem>>) attributes {dimension_semantics = [#tpu.dimension_semantics<core_parallel>, #tpu.dimension_semantics<subcore_parallel>], iteration_bounds = array<i64: 2, 16>, scalar_prefetch = 0 : i64, scratch_operands = 3 : i64, tpu.core_type = #tpu.core_type<sc_vector_subcore>, window_params = [{transform_indices = #map}, {transform_indices = #map1}, {transform_indices = #map1}, {transform_indices = #map1}]} {
    %mul3A = arith.constant 640 : i32
    %mul3A_0 = arith.muli %arg1, %mul3A : i32
    "tpu.region"() ({
      %run_scoped3A = tpu.sem_alloc : memref<!tpu.dma_semaphore, #tpu.memory_space<semaphore_mem>>
      tpu.enqueue_dma source(%arg4 : memref<2000x16xf32, #tpu.memory_space<hbm>>) target(%arg7 : memref<2000x16xf32, #tpu.memory_space<vmem>>) target_semaphore(%run_scoped3A : memref<!tpu.dma_semaphore, #tpu.memory_space<semaphore_mem>>)
      tpu.wait_dma2 semaphore(%run_scoped3A : memref<!tpu.dma_semaphore, #tpu.memory_space<semaphore_mem>>) src(%arg4 : memref<2000x16xf32, #tpu.memory_space<hbm>>) dst(%arg7 : memref<2000x16xf32, #tpu.memory_space<vmem>>)
      tpu.yield
    }) : () -> ()
    "tpu.region"() ({
      %run_scoped3A = tpu.sem_alloc : memref<!tpu.dma_semaphore, #tpu.memory_space<semaphore_mem>>
      %dma_start3A = arith.constant 0 : i32
      %dma_start3A_9 = tpu.memref_slice %arg6[%mul3A_0, %dma_start3A] : memref<10240x16xf32, #tpu.memory_space<vmem_shared>> -> memref<640x16xf32, #tpu.memory_space<vmem_shared>>
      %dma_start3A_10 = arith.constant 0 : i32
      %dma_start3A_11 = tpu.memref_slice %arg3[%mul3A_0, %dma_start3A_10] : memref<10240x16xf32, #tpu.memory_space<hbm>> -> memref<640x16xf32, #tpu.memory_space<hbm>>
      tpu.enqueue_dma source(%dma_start3A_11 : memref<640x16xf32, #tpu.memory_space<hbm>>) target(%dma_start3A_9 : memref<640x16xf32, #tpu.memory_space<vmem_shared>>) target_semaphore(%run_scoped3A : memref<!tpu.dma_semaphore, #tpu.memory_space<semaphore_mem>>)
      %dma_wait3A = arith.constant 0 : i32
      %dma_wait3A_12 = tpu.memref_slice %arg6[%mul3A_0, %dma_wait3A] : memref<10240x16xf32, #tpu.memory_space<vmem_shared>> -> memref<640x16xf32, #tpu.memory_space<vmem_shared>>
      %dma_wait3A_13 = arith.constant 0 : i32
      %dma_wait3A_14 = tpu.memref_slice %arg3[%mul3A_0, %dma_wait3A_13] : memref<10240x16xf32, #tpu.memory_space<hbm>> -> memref<640x16xf32, #tpu.memory_space<hbm>>
      tpu.wait_dma2 semaphore(%run_scoped3A : memref<!tpu.dma_semaphore, #tpu.memory_space<semaphore_mem>>) src(%dma_wait3A_14 : memref<640x16xf32, #tpu.memory_space<hbm>>) dst(%dma_wait3A_12 : memref<640x16xf32, #tpu.memory_space<vmem_shared>>)
      tpu.yield
    }) : () -> ()
    %barrier3A = arith.constant 0 : index
    tpu.barrier barrier_id(%barrier3A)
    %scan3A = arith.constant 0 : i32
    %scan3A_1 = arith.constant 0 : i32
    %scan3A_2 = arith.constant 10 : i32
    %scan3A_3 = arith.addi %scan3A_1, %scan3A_2 : i32
    %scan3A_4 = arith.constant 1 : i32
    scf.for %scan3A_9 = %scan3A_1 to %scan3A_3 step %scan3A_4  : i32 {
      %mul3A_10 = arith.constant 320000 : i32
      %mul3A_11 = arith.muli %arg0, %mul3A_10 : i32
      %mul3A_12 = arith.constant 20000 : i32
      %mul3A_13 = arith.muli %arg1, %mul3A_12 : i32
      %add3A_14 = arith.addi %mul3A_11, %mul3A_13 : i32
      %mul3A_15 = arith.constant 2000 : i32
      %mul3A_16 = arith.muli %scan3A_9, %mul3A_15 : i32
      %add3A_17 = arith.addi %add3A_14, %mul3A_16 : i32
      %multiple_of3A = tpu.assume_multiple %add3A_17, 8 : i32
      "tpu.region"() ({
        %run_scoped3A = tpu.sem_alloc : memref<!tpu.dma_semaphore, #tpu.memory_space<semaphore_mem>>
        %dma_start3A = tpu.memref_slice %arg2[%multiple_of3A] : memref<640000xi32, #tpu.memory_space<hbm>> -> memref<2000xi32, #tpu.memory_space<hbm>>
        %dma_start3A_18 = tpu.memref_slice %arg2[%multiple_of3A] : memref<640000xi32, #tpu.memory_space<hbm>> -> memref<2000xi32, #tpu.memory_space<hbm>>
        tpu.enqueue_dma source(%dma_start3A_18 : memref<2000xi32, #tpu.memory_space<hbm>>) target(%arg8 : memref<2000xi32, #tpu.memory_space<vmem>>) target_semaphore(%run_scoped3A : memref<!tpu.dma_semaphore, #tpu.memory_space<semaphore_mem>>)
        %dma_wait3A = tpu.memref_slice %arg2[%multiple_of3A] : memref<640000xi32, #tpu.memory_space<hbm>> -> memref<2000xi32, #tpu.memory_space<hbm>>
        %dma_wait3A_19 = tpu.memref_slice %arg2[%multiple_of3A] : memref<640000xi32, #tpu.memory_space<hbm>> -> memref<2000xi32, #tpu.memory_space<hbm>>
        tpu.wait_dma2 semaphore(%run_scoped3A : memref<!tpu.dma_semaphore, #tpu.memory_space<semaphore_mem>>) src(%dma_wait3A_19 : memref<2000xi32, #tpu.memory_space<hbm>>) dst(%arg8 : memref<2000xi32, #tpu.memory_space<vmem>>)
        tpu.yield
      }) : () -> ()
      "tpu.region"() ({
        %run_scoped3A = tpu.sem_alloc : memref<!tpu.dma_semaphore, #tpu.memory_space<semaphore_mem>>
        %dma_start3A = arith.constant 0 : i32
        %dma_start3A_18 = arith.constant 0 : i32
        %dma_start3A_19 = tpu.memref_slice %arg6[%dma_start3A, %dma_start3A_18] : memref<10240x16xf32, #tpu.memory_space<vmem_shared>> -> memref<10240x16xf32, #tpu.memory_space<vmem_shared>>
        tpu.enqueue_indirect_dma source(%arg7 : memref<2000x16xf32, #tpu.memory_space<vmem>>) target(%dma_start3A_19 : memref<10240x16xf32, #tpu.memory_space<vmem_shared>>) offsets(%arg8 : memref<2000xi32, #tpu.memory_space<vmem>>) semaphore(%run_scoped3A : memref<!tpu.dma_semaphore, #tpu.memory_space<semaphore_mem>>) {add = true}
        %dma_wait3A = arith.constant 0 : i32
        %dma_wait3A_20 = arith.constant 0 : i32
        %dma_wait3A_21 = tpu.memref_slice %arg6[%dma_wait3A, %dma_wait3A_20] : memref<10240x16xf32, #tpu.memory_space<vmem_shared>> -> memref<10240x16xf32, #tpu.memory_space<vmem_shared>>
        tpu.wait_indirect_dma semaphore(%run_scoped3A : memref<!tpu.dma_semaphore, #tpu.memory_space<semaphore_mem>>) src(%arg7 : memref<2000x16xf32, #tpu.memory_space<vmem>>) dst(%dma_wait3A_21 : memref<10240x16xf32, #tpu.memory_space<vmem_shared>>)
        tpu.yield
      }) : () -> ()
    }
    %scan3A_5 = arith.constant 10 : i32
    %barrier3A_6 = arith.constant 0 : index
    tpu.barrier barrier_id(%barrier3A_6)
    %mul3A_7 = arith.constant 10240 : i32
    %mul3A_8 = arith.muli %arg0, %mul3A_7 : i32
    %add3A = arith.addi %mul3A_8, %mul3A_0 : i32
    "tpu.region"() ({
      %run_scoped3A = tpu.sem_alloc : memref<!tpu.dma_semaphore, #tpu.memory_space<semaphore_mem>>
      %dma_start3A = arith.constant 0 : i32
      %dma_start3A_9 = tpu.memref_slice %arg5[%add3A, %dma_start3A] : memref<20480x16xf32, #tpu.memory_space<hbm>> -> memref<640x16xf32, #tpu.memory_space<hbm>>
      %dma_start3A_10 = arith.constant 0 : i32
      %dma_start3A_11 = tpu.memref_slice %arg6[%mul3A_0, %dma_start3A_10] : memref<10240x16xf32, #tpu.memory_space<vmem_shared>> -> memref<640x16xf32, #tpu.memory_space<vmem_shared>>
      tpu.enqueue_dma source(%dma_start3A_11 : memref<640x16xf32, #tpu.memory_space<vmem_shared>>) target(%dma_start3A_9 : memref<640x16xf32, #tpu.memory_space<hbm>>) target_semaphore(%run_scoped3A : memref<!tpu.dma_semaphore, #tpu.memory_space<semaphore_mem>>)
      %dma_wait3A = arith.constant 0 : i32
      %dma_wait3A_12 = tpu.memref_slice %arg5[%add3A, %dma_wait3A] : memref<20480x16xf32, #tpu.memory_space<hbm>> -> memref<640x16xf32, #tpu.memory_space<hbm>>
      %dma_wait3A_13 = arith.constant 0 : i32
      %dma_wait3A_14 = tpu.memref_slice %arg6[%mul3A_0, %dma_wait3A_13] : memref<10240x16xf32, #tpu.memory_space<vmem_shared>> -> memref<640x16xf32, #tpu.memory_space<vmem_shared>>
      tpu.wait_dma2 semaphore(%run_scoped3A : memref<!tpu.dma_semaphore, #tpu.memory_space<semaphore_mem>>) src(%dma_wait3A_14 : memref<640x16xf32, #tpu.memory_space<vmem_shared>>) dst(%dma_wait3A_12 : memref<640x16xf32, #tpu.memory_space<hbm>>)
      tpu.yield
    }) : () -> ()
    return
  }
}

</mosaic_0001>

<sc_bundles>
// kernel: _deg_call.3.cloned.1.call-start
scs
__scs_entry_jumppad:
0x0: {  	(pc) =	sbr.rel $0x88, $3  }
0x1: {  	(tag) =	ssettag $0x0;
	lr =	simm.s32 $0x1  }
0x2: {  	[smem:$0x3FA0] =	sst lr;
	_ =	strace $0xD0000000  }
0x3: {  	_ = 	snop  }
0x4: {  	_ = 	snop  }
0x5: {  	_ = 	snop  }
0x6: {  	_ = 	snop  }
0x7: {  	_ = 	snop  }
__scs_overlays_trampoline_lowered:
0x8: {  	[smem:$0x3FAF] =	sst s0  }
0x9: {  	[smem:$0x3FB0] =	sst s1  }
0xa: {  	[smem:$0x3FB1] =	sst s2  }
0xb: {  	[smem:$0x3FB2] =	sst s3  }
0xc: {  	[smem:$0x3FB3] =	sst s4  }
0xd: {  	[smem:$0x3FB4] =	sst s5  }
0xe: {  	[smem:$0x3FB5] =	sst s6  }
0xf: {  	[smem:$0x3FB6] =	sst s7  }
0x10: {  	[smem:$0x3FB7] =	sst s8  }
0x11: {  	[smem:$0x3FB8] =	sst s9;
	s0 =	simm.s32 @!p0 $0x0  }
0x12: {  	s1 =	sld [smem:$0x3F9E];
	s0 =	simm.s32 @p0 $0x1  }
0x13: {  	[smem:$0x3FB9] =	sst s0;
	s0 =	simm.s32 @!p1 $0x0  }
0x14: {  	s2 =	sld [smem:$0x3F9D];
	s0 =	simm.s32 @p1 $0x1  }
0x15: {  	[smem:$0x3FBA] =	sst s0;
	s0 =	simm.s32 @!p2 $0x0  }
0x16: {  	s3 =	sld [smem:$0x3FDB];
	s0 =	simm.s32 @p2 $0x1  }
0x17: {  	s4 =	simm.s32 $0x1BF5;
	[smem:$0x3FBC] =	sst s0  }
0x18: {  	s0 =	sld [smem:$0x3F9F];
	_ =	swait.ge [sflag:s4], $0x0  }
0x19: {  	s7 =	sld [smem:$0x3FA0]  }
0x1a: {  	s8 =	sadd.s32 $0xFFFFE003, lr  }
0x1b: {  	s9 =	sadd.s32 $0xFFFFFEF7, lr;
	s5 =	simm.s32 $0xFFFFFFFF;
	p2 =	slt.u32 s8, $0xFFFFF086  }
0x1c: {  	p1 =	slt.u32 s9, $0xF7A;
	s5 =	simm.s32 @!p2 $0x0  }
0x1d: {  	s5 =	simm.s32 @p1 $0x1;
	p0 =	seq.s32 s7, s2  }
0x1e: {  	s7 =	smul.u32 @!p0 $0xF7A, s2;
	p2 =	seq.s32 @!p0 s5, $0x0  }
0x1f: {  	s9 =	smul.u32 $0xF7A, s1;
	s8 =	simm.s32 @!p0 $0x1BF5;
	p2 =	por !p2, p0  }
0x20: {  	[sflag:s8] =	ssyncset.s32 @!p0 $0xFFFFF086;
	s6 =	sadd.s32 @!p0 s3, s7;
	s7 =	simm.s32 @!p0 $0x108  }
0x21: {  	s3 =	sadd.s32 s3, s9;
	s6 =	sadd.s32 @!p0 $0x88, s6;
	s7 =	simm.s32 @p2 $0x1082  }
0x22: {  	[simem:s7], [sflag:s8] =	dma.local @!p0 [hbm:s6], $0xF7A  }
0x23: {  	s9 =	sor.u32 $0xD0000000, s2;
	s6 =	simm.s32 $0x108;
	_ =	swait.ge @!p0 [sflag:s8], $0x0  }
0x24: {  	s3 =	sadd.s32 $0x88, s3;
	s6 =	simm.s32 @!p1 $0x1082;
	[sflag:s4] =	ssyncset.s32 $0xFFFFF086  }
0x25: {  	[simem:s6], [sflag:s4] =	dma.local [hbm:s3], $0xF7A  }
0x26: {  	[smem:$0x3FA0] =	sst s1;
	(tag) =	ssettag s2;
	_ =	strace s9  }
0x27: {  	s1 =	sld [smem:$0x3FB0]  }
0x28: {  	s2 =	sld [smem:$0x3FB1]  }
0x29: {  	s4 =	sld [smem:$0x3FB3]  }
0x2a: {  	p0 =	seq.s32 s5, $0x0;
	s5 =	sld [smem:$0x3FB4]  }
0x2b: {  	s6 =	sld [smem:$0x3FB5]  }
0x2c: {  	s7 =	sld [smem:$0x3FB6]  }
0x2d: {  	s3 =	simm.s32 $0x108;
	s8 =	sld [smem:$0x3FB7]  }
0x2e: {  	s3 =	simm.s32 @!p0 $0x1082;
	s9 =	sld [smem:$0x3FB8]  }
0x2f: {  	lr =	sadd.s32 s0, s3;
	s0 =	sld [smem:$0x3FAF]  }
0x30: {  	s3 =	sld [smem:$0x3FB2]  }
0x31: {  	[smem:$0x3FBB] =	sst s10  }
0x32: {  	s10 =	sld [smem:$0x3FB9];
	_ =	sdelay $0x3  }
0x33: {  	p0 =	seq.s32 s10, $0x1;
	s10 =	sld [smem:$0x3FBB];
	_ =	sdelay $0x3  }
0x34: {  	[smem:$0x3FBB] =	sst s10  }
0x35: {  	s10 =	sld [smem:$0x3FBA];
	_ =	sdelay $0x3  }
0x36: {  	p1 =	seq.s32 s10, $0x1;
	s10 =	sld [smem:$0x3FBB];
	_ =	sdelay $0x3  }
0x37: {  	[smem:$0x3FBB] =	sst s10  }
0x38: {  	s10 =	sld [smem:$0x3FBC]  }
0x39: {  	_ = 	snop;
	(pc) =	sbr.ind lr, $3  }
0x3a: {  	_ = 	snop  }
0x3b: {  	_ = 	snop  }
0x3c: {  	p2 =	seq.s32 s10, $0x1;
	s10 =	sld [smem:$0x3FBB]  }
0x3d: {  	_ =	shalt  }
0x3e: {  	_ =	shalt  }
0x3f: {  	_ =	shalt  }
0x40: {  	_ =	shalt  }
0x41: {  	_ =	shalt  }
0x42: {  	_ =	shalt  }
0x43: {  	_ =	shalt  }
0x44: {  	_ =	shalt  }
0x45: {  	_ =	shalt  }
0x46: {  	_ =	shalt  }
0x47: {  	_ =	shalt  }
0x48: {  	_ =	shalt  }
0x49: {  	_ =	shalt  }
0x4a: {  	_ =	shalt  }
0x4b: {  	_ =	shalt  }
0x4c: {  	_ =	shalt  }
0x4d: {  	_ =	shalt  }
0x4e: {  	_ =	shalt  }
0x4f: {  	_ =	shalt  }
0x50: {  	_ =	shalt  }
0x51: {  	_ =	shalt  }
0x52: {  	_ =	shalt  }
0x53: {  	_ =	shalt  }
0x54: {  	_ =	shalt  }
0x55: {  	_ =	shalt  }
0x56: {  	_ =	shalt  }
0x57: {  	_ =	shalt  }
0x58: {  	_ =	shalt  }
0x59: {  	_ =	shalt  }
0x5a: {  	_ =	shalt  }
0x5b: {  	_ =	shalt  }
0x5c: {  	_ =	shalt  }
0x5d: {  	_ =	shalt  }
0x5e: {  	_ =	shalt  }
0x5f: {  	_ =	shalt  }
0x60: {  	_ =	shalt  }
0x61: {  	_ =	shalt  }
0x62: {  	_ =	shalt  }
0x63: {  	_ =	shalt  }
0x64: {  	_ =	shalt  }
0x65: {  	_ =	shalt  }
0x66: {  	_ =	shalt  }
0x67: {  	_ =	shalt  }
0x68: {  	_ =	shalt  }
0x69: {  	_ =	shalt  }
0x6a: {  	_ =	shalt  }
0x6b: {  	_ =	shalt  }
0x6c: {  	_ =	shalt  }
0x6d: {  	_ =	shalt  }
0x6e: {  	_ =	shalt  }
0x6f: {  	_ =	shalt  }
0x70: {  	_ =	shalt  }
0x71: {  	_ =	shalt  }
0x72: {  	_ =	shalt  }
0x73: {  	_ =	shalt  }
0x74: {  	_ =	shalt  }
0x75: {  	_ =	shalt  }
0x76: {  	_ =	shalt  }
0x77: {  	_ =	shalt  }
0x78: {  	_ =	shalt  }
0x79: {  	_ =	shalt  }
0x7a: {  	_ =	shalt  }
0x7b: {  	_ =	shalt  }
0x7c: {  	_ =	shalt  }
0x7d: {  	_ =	shalt  }
0x7e: {  	_ =	shalt  }
0x7f: {  	_ =	shalt  }
0x80: {  	_ =	shalt  }
0x81: {  	_ =	shalt  }
0x82: {  	_ =	shalt  }
0x83: {  	_ =	shalt  }
0x84: {  	_ =	shalt  }
0x85: {  	_ =	shalt  }
0x86: {  	_ =	shalt  }
0x87: {  	_ =	shalt  }
.Lfunc_end0:
.L_simem_size_0:
called_computation_lowered:
.L_overlay_start_0:
0x88: {  	s2 =	sld [smem:$0x3FD9]  }
0x89: {  	s3 =	sld [smem:$0x3FFE];
	_ =	sdelay $0x1  }
0x8a: {  	s1 =	srdreg.scid  }
0x8b: {  	s0 =	sand.u32 $0x1, s1  }
0x8c: {  	s17 =	sshll.u32 s0, $0xA;
	s2 =	sadd.s32 s3, s2  }
0x8d: {  	s2 =	sadd.s32 s2, s17  }
0x8e: {  	[smem:$0x3FC7] =	sst s2  }
0x8f: {  	_ = 	snop  }
0x90: {  	s2 =	sld [smem:$0x3FC9]  }
0x91: {  	s18 =	sld [smem:$0x3FD0];
	(tm) =	ssettm $0x1  }
0x92: {  	s4 =	sld [smem:$0x3FFB];
	_ =	sdelay $0x3  }
0x93: {  	_ =	strace s4  }
0x94: {  	s4 =	sld [smem:$0x3FFC];
	_ =	sdelay $0x3  }
0x95: {  	_ =	strace s4  }
0x96: {  	s4 =	sld [smem:$0x3FFD];
	_ =	sdelay $0x3  }
0x97: {  	_ =	strace s4  }
0x98: {  	_ =	strace $0x8FFFFFFF  }
0x99: {  	s19 =	sld [smem:$0x3FDB];
	_ =	sdelay $0x1  }
0x9a: {  	s5 =	simm.s32 $_scs_section_size  }
0x9b: {  	s6 =	simm.s32 $_size__tile_overlayer_lowered;
	s7 =	simm.s32 $_tile_overlayer_lowered  }
0x9c: {  	s22 =	simm.s32 $0x1BFF;
	s21 =	sshll.u32 s7, $0x1;
	s4 =	sadd.s32 s5, s19  }
0x9d: {  	s8 =	simm.s32 $0x0;
	s20 =	sshll.u32 s6, $0x1;
	s6 =	sadd.s32 s21, s4  }
0x9e: {  	[timem:s8], [sflag:s22] =	dma.local [hbm:s6], s20  }
0x9f: {  	_ =	swait.ge [sflag:s22], s20  }
0xa0: {  	s5 =	ssub.s32 $0x0, s20;
	[sflag:s22] =	ssyncset.done $0x0  }
0xa1: {  	[sflag:s22] =	ssyncadd.s32 s5;
	_ =	sdelay $0x1  }
0xa2: {  	s23 =	simm.s32 $0x1B8B  }
0xa3: {  	_ =	swait.ge [sflag:s23], $0x1  }
0xa4: {  	[sflag:s23] =	ssyncset.done $0x0  }
0xa5: {  	s25 =	simm.s32 $0x1B8E;
	s24 =	sld [smem:$0x3FFE];
	[sflag:s23] =	ssyncadd.s32 $0xFFFFFFFF  }
0xa6: {  	s26 =	simm.s32 $execute0_lowered;
	[smem:$0x3FD2] =	sst s25  }
0xa7: {  	s6 =	sshll.u32 s26, $0x1;
	_ =	strace $0x80000046;
	[dreg:$0x1] =	wrdreg $0xFFFFFFFF  }
0xa8: {  	s28 =	simm.s32 $_size_execute0_lowered;
	s4 =	sadd.s32 s4, s6;
	[dreg:$0x0] =	wrdreg $0x0  }
0xa9: {  	s6 =	sshll.u32 s28, $0x1;
	[dreg:$0x2] =	wrdreg s4  }
0xaa: {  	[dreg:$0x3] =	wrdreg s6  }
0xab: {  	[dreg:$0x4] =	wrdreg $0xC0  }
0xac: {  	_ =	task [dreg:s8], $0x5FFFF  }
0xad: {  	[dreg:$0x1] =	wrdreg $0xFFFFFFFF  }
0xae: {  	[dreg:$0x0] =	wrdreg $0x60  }
0xaf: {  	[dreg:$0x2] =	wrdreg s2  }
0xb0: {  	[dreg:$0x3] =	wrdreg s24  }
0xb1: {  	[dreg:$0x4] =	wrdreg s18  }
0xb2: {  	[dreg:$0x5] =	wrdreg $0x0  }
0xb3: {  	[dreg:$0x6] =	wrdreg $0x9  }
0xb4: {  	_ =	task.clear_ibuf [dreg:s8], $0x7FFFF;
	_ =	strace $0x90000046  }
0xb5: {  	s29 =	simm.s32 $0x9;
	_ =	strace $0x80000048  }
0xb6: {  	_ =	swait.ge [sflag:s29], $0x1  }
0xb7: {  	[sflag:s29] =	ssyncadd.s32 $0xFFFFFFFF  }
0xb8: {  	_ =	strace $0x90000048  }
0xb9: {  	_ =	sfence  }
0xba: {  	s30 =	sld [smem:$0x0];
	_ =	sdelay $0x2  }
0xbb: {  	s31 =	sshll.u32 s1, $0xD;
	s1 =	sshrl.u32 s1, $0x2  }
0xbc: {  	s3 =	sand.u32 $0x4000, s31;
	s1 =	sadd.s32 s1, s30  }
0xbd: {  	s0 =	sor.u32 s3, s0;
	s1 =	sshll.u32 s1, $0x11  }
0xbe: {  	s0 =	sor.u32 s1, s0  }
0xbf: {  	s0 =	sadd.s32 $0x8F2B, s0  }
0xc0: {  	[sflag:s0] =	ssyncadd.remote.s32 $0x1  }
0xc1: {  	_ =	sfence.sel $0xFFFF  }
0xc2: {  	[dreg:$0x0] =	wrdreg $0xFFFFFFFF;
	(pc) =	sbr.abs _section_cstart, $3  }
0xc3: {  	[dreg:$0x1] =	wrdreg $0xFFFFFFFF  }
0xc4: {  	_ =	task.clear_ibuf [dreg:s8], $0x2FFFF;
	_ =	strace $0x9FFFFFFF  }
0xc5: {  	(tm) =	ssettm $0x7FFFFFFF  }
tec
execute0_lowered:
.L_overlay_start_1:
0x0: {  	(tag) =	ssettag $0x1  }
0x1: {  	s10 =	rddreg [dreg:$0x0]  }
0x2: {  	s4 =	rddreg [dreg:$0x1]  }
0x3: {  	s22 =	rddreg [dreg:$0x2]  }
0x4: {  	s2 =	rddreg [dreg:$0x3]  }
0x5: {  	s1 =	stileid.u32;
	s3 =	simm.s32 $0x0;
	s7 =	srdreg.scid  }
0x6: {  	s5 =	smul.u32 $0x2800, s1;
	[smem:$0x7FF] =	sst s3  }
0x7: {  	s0 =	rddreg [dreg:$0x4];
	s23 =	sand.u32 $0x1, s7;
	_ =	strace $0x80000047  }
0x8: {  	s6 =	sshrl.u32 s5, $0x3;
	s9 =	sadd.s32 s5, s2;
	s5 =	simm.s32 $0x1  }
0x9: {  	s8 =	sadd.s32 s6, s4;
	s4 =	sadd.s32 $0x400, s4;
	s6 =	simm.s32 $0x2800  }
0xa: {  	[tilespmem:s6], [sflag:$0x1] =	stream.linear.gather [hbm4b:s4+s3], $0x7D00, $0x38;
	[tilespmem:$0xACD0] =	vst v63  }
0xb: {  	s12 =	smul.u32 $0x4E20, s1;
	s30 =	sshll.u32 s1, $0x6;
	_ =	swait.ge [sflag:s5], $0x7D00  }
0xc: {  	s11 =	smul.u32 $0x4E200, s23;
	s9 =	sshrl.u32 s9, $0x3;
	[sflag:s5] =	ssyncset.done $0x0  }
0xd: {  	s7 =	sadd.s32 $0x1400, s8;
	s8 =	sor.u32 $0x1C01, s30;
	[sflag:s5] =	ssyncadd.s32 $0xFFFF8300  }
0xe: {  	[spmem:s9], [sflag:s8] =	dma.local [hbm:s7], $0x500  }
0xf: {  	_ =	swait.ge [sflag:s5], $0x500  }
0x10: {  	s11 =	sadd.s32 s12, s11;
	[sflag:s5] =	ssyncset.done $0x0  }
0x11: {  	s11 =	sshrl.u32 s11, $0x3;
	[sflag:s5] =	ssyncadd.s32 $0xFFFFFB00  }
0x12: {  	s10 =	sadd.s32 s10, s11;
	s11 =	simm.s32 $0xA500;
	[bflag:$0x0] =	sbarrier.arrive $0xFFFF  }
0x13: {  	[tilespmem:s11], [sflag:$0x1] =	stream.linear.gather [hbm4b:s10+s3], $0x7D0, $0x38;
	[tilespmem:$0xACD0] =	vst v63  }
0x14: {  	_ =	swait.ge [sflag:s5], $0x7D0  }
0x15: {  	[sflag:s5] =	ssyncset.done $0x0  }
0x16: {  	s12 =	simm.s32 $0x7D0;
	[sflag:s5] =	ssyncadd.s32 $0xFFFFF830  }
0x17: {  	[spmem:s2] =	stream.indirect.scatter.add.f32 [tilespmem:s6], [sflag:$0x1], $0x10, s11, s12, $0xb8;
	[tilespmem:$0xACD0] =	vst v63  }
0x18: {  	_ =	swait.ge [sflag:s5], $0x7D00  }
0x19: {  	[sflag:s5] =	ssyncset.done $0x0  }
0x1a: {  	s13 =	sadd.s32 $0xFA, s10;
	[sflag:s5] =	ssyncadd.s32 $0xFFFF8300  }
0x1b: {  	[tilespmem:s11], [sflag:$0x1] =	stream.linear.gather [hbm4b:s13+s3], $0x7D0, $0x38;
	[tilespmem:$0xACD0] =	vst v63  }
0x1c: {  	_ =	swait.ge [sflag:s5], $0x7D0  }
0x1d: {  	[sflag:s5] =	ssyncset.done $0x0  }
0x1e: {  	[sflag:s5] =	ssyncadd.s32 $0xFFFFF830  }
0x1f: {  	[spmem:s2] =	stream.indirect.scatter.add.f32 [tilespmem:s6], [sflag:$0x1], $0x10, s11, s12, $0xb8;
	[tilespmem:$0xACD0] =	vst v63  }
0x20: {  	_ =	swait.ge [sflag:s5], $0x7D00  }
0x21: {  	[sflag:s5] =	ssyncset.done $0x0  }
0x22: {  	s14 =	sadd.s32 $0x1F4, s10;
	[sflag:s5] =	ssyncadd.s32 $0xFFFF8300  }
0x23: {  	[tilespmem:s11], [sflag:$0x1] =	stream.linear.gather [hbm4b:s14+s3], $0x7D0, $0x38;
	[tilespmem:$0xACD0] =	vst v63  }
0x24: {  	_ =	swait.ge [sflag:s5], $0x7D0  }
0x25: {  	[sflag:s5] =	ssyncset.done $0x0  }
0x26: {  	[sflag:s5] =	ssyncadd.s32 $0xFFFFF830  }
0x27: {  	[spmem:s2] =	stream.indirect.scatter.add.f32 [tilespmem:s6], [sflag:$0x1], $0x10, s11, s12, $0xb8;
	[tilespmem:$0xACD0] =	vst v63  }
0x28: {  	_ =	swait.ge [sflag:s5], $0x7D00  }
0x29: {  	[sflag:s5] =	ssyncset.done $0x0  }
0x2a: {  	s15 =	sadd.s32 $0x2EE, s10;
	[sflag:s5] =	ssyncadd.s32 $0xFFFF8300  }
0x2b: {  	[tilespmem:s11], [sflag:$0x1] =	stream.linear.gather [hbm4b:s15+s3], $0x7D0, $0x38;
	[tilespmem:$0xACD0] =	vst v63  }
0x2c: {  	_ =	swait.ge [sflag:s5], $0x7D0  }
0x2d: {  	[sflag:s5] =	ssyncset.done $0x0  }
0x2e: {  	[sflag:s5] =	ssyncadd.s32 $0xFFFFF830  }
0x2f: {  	[spmem:s2] =	stream.indirect.scatter.add.f32 [tilespmem:s6], [sflag:$0x1], $0x10, s11, s12, $0xb8;
	[tilespmem:$0xACD0] =	vst v63  }
0x30: {  	_ =	swait.ge [sflag:s5], $0x7D00  }
0x31: {  	[sflag:s5] =	ssyncset.done $0x0  }
0x32: {  	s16 =	sadd.s32 $0x3E8, s10;
	[sflag:s5] =	ssyncadd.s32 $0xFFFF8300  }
0x33: {  	[tilespmem:s11], [sflag:$0x1] =	stream.linear.gather [hbm4b:s16+s3], $0x7D0, $0x38;
	[tilespmem:$0xACD0] =	vst v63  }
0x34: {  	_ =	swait.ge [sflag:s5], $0x7D0  }
0x35: {  	[sflag:s5] =	ssyncset.done $0x0  }
0x36: {  	[sflag:s5] =	ssyncadd.s32 $0xFFFFF830  }
0x37: {  	[spmem:s2] =	stream.indirect.scatter.add.f32 [tilespmem:s6], [sflag:$0x1], $0x10, s11, s12, $0xb8;
	[tilespmem:$0xACD0] =	vst v63  }
0x38: {  	_ =	swait.ge [sflag:s5], $0x7D00  }
0x39: {  	[sflag:s5] =	ssyncset.done $0x0  }
0x3a: {  	s17 =	sadd.s32 $0x4E2, s10;
	[sflag:s5] =	ssyncadd.s32 $0xFFFF8300  }
0x3b: {  	[tilespmem:s11], [sflag:$0x1] =	stream.linear.gather [hbm4b:s17+s3], $0x7D0, $0x38;
	[tilespmem:$0xACD0] =	vst v63  }
0x3c: {  	_ =	swait.ge [sflag:s5], $0x7D0  }
0x3d: {  	[sflag:s5] =	ssyncset.done $0x0  }
0x3e: {  	[sflag:s5] =	ssyncadd.s32 $0xFFFFF830  }
0x3f: {  	[spmem:s2] =	stream.indirect.scatter.add.f32 [tilespmem:s6], [sflag:$0x1], $0x10, s11, s12, $0xb8;
	[tilespmem:$0xACD0] =	vst v63  }
0x40: {  	_ =	swait.ge [sflag:s5], $0x7D00  }
0x41: {  	[sflag:s5] =	ssyncset.done $0x0  }
0x42: {  	s18 =	sadd.s32 $0x5DC, s10;
	[sflag:s5] =	ssyncadd.s32 $0xFFFF8300  }
0x43: {  	[tilespmem:s11], [sflag:$0x1] =	stream.linear.gather [hbm4b:s18+s3], $0x7D0, $0x38;
	[tilespmem:$0xACD0] =	vst v63  }
0x44: {  	_ =	swait.ge [sflag:s5], $0x7D0  }
0x45: {  	[sflag:s5] =	ssyncset.done $0x0  }
0x46: {  	[sflag:s5] =	ssyncadd.s32 $0xFFFFF830  }
0x47: {  	[spmem:s2] =	stream.indirect.scatter.add.f32 [tilespmem:s6], [sflag:$0x1], $0x10, s11, s12, $0xb8;
	[tilespmem:$0xACD0] =	vst v63  }
0x48: {  	_ =	swait.ge [sflag:s5], $0x7D00  }
0x49: {  	[sflag:s5] =	ssyncset.done $0x0  }
0x4a: {  	s19 =	sadd.s32 $0x6D6, s10;
	[sflag:s5] =	ssyncadd.s32 $0xFFFF8300  }
0x4b: {  	[tilespmem:s11], [sflag:$0x1] =	stream.linear.gather [hbm4b:s19+s3], $0x7D0, $0x38;
	[tilespmem:$0xACD0] =	vst v63  }
0x4c: {  	_ =	swait.ge [sflag:s5], $0x7D0  }
0x4d: {  	[sflag:s5] =	ssyncset.done $0x0  }
0x4e: {  	[sflag:s5] =	ssyncadd.s32 $0xFFFFF830  }
0x4f: {  	[spmem:s2] =	stream.indirect.scatter.add.f32 [tilespmem:s6], [sflag:$0x1], $0x10, s11, s12, $0xb8;
	[tilespmem:$0xACD0] =	vst v63  }
0x50: {  	_ =	swait.ge [sflag:s5], $0x7D00  }
0x51: {  	[sflag:s5] =	ssyncset.done $0x0  }
0x52: {  	s20 =	sadd.s32 $0x7D0, s10;
	[sflag:s5] =	ssyncadd.s32 $0xFFFF8300  }
0x53: {  	[tilespmem:s11], [sflag:$0x1] =	stream.linear.gather [hbm4b:s20+s3], $0x7D0, $0x38;
	[tilespmem:$0xACD0] =	vst v63  }
0x54: {  	_ =	swait.ge [sflag:s5], $0x7D0  }
0x55: {  	[sflag:s5] =	ssyncset.done $0x0  }
0x56: {  	[sflag:s5] =	ssyncadd.s32 $0xFFFFF830  }
0x57: {  	[spmem:s2] =	stream.indirect.scatter.add.f32 [tilespmem:s6], [sflag:$0x1], $0x10, s11, s12, $0xb8;
	[tilespmem:$0xACD0] =	vst v63  }
0x58: {  	_ =	swait.ge [sflag:s5], $0x7D00  }
0x59: {  	[sflag:s5] =	ssyncset.done $0x0  }
0x5a: {  	s21 =	sadd.s32 $0x8CA, s10;
	[sflag:s5] =	ssyncadd.s32 $0xFFFF8300  }
0x5b: {  	[tilespmem:s11], [sflag:$0x1] =	stream.linear.gather [hbm4b:s21+s3], $0x7D0, $0x38;
	[tilespmem:$0xACD0] =	vst v63  }
0x5c: {  	s25 =	ssub.s32 $0x2, s23;
	_ =	swait.ge [sflag:s5], $0x7D0  }
0x5d: {  	s26 =	sshrl.u32 s25, $0x1;
	[sflag:s5] =	ssyncset.done $0x0  }
0x5e: {  	s24 =	smul.u32 $0x500, s1;
	s25 =	ssub.s32 s25, s26;
	[sflag:s5] =	ssyncadd.s32 $0xFFFFF830  }
0x5f: {  	[spmem:s2] =	stream.indirect.scatter.add.f32 [tilespmem:s6], [sflag:$0x1], $0x10, s11, s12, $0xb8;
	[tilespmem:$0xACD0] =	vst v63  }
0x60: {  	s23 =	smul.u32 $0x5000, s23;
	s31 =	smax.u32 s25, $0x1;
	_ =	swait.ge [sflag:s5], $0x7D00  }
0x61: {  	p0 =	sne.s32 s31, $0x1;
	[sflag:s5] =	ssyncset.done $0x0  }
.Ltmp0:
0x62: {  	s23 =	sadd.s32 s24, s23;
	[sflag:s5] =	ssyncadd.s32 $0xFFFF8300;
	(pc) =	sbr.rel @!p0 .LBB2_2-.Ltmp0, $4  }
0x63: {  	s22 =	sadd.s32 s22, s23;
	[bflag:$0x0] =	sbarrier.arrive $0xFFFF  }
0x64: {  	[hbm:s22], [sflag:s8] =	dma.local [spmem:s9], $0x500  }
0x65: {  	_ =	swait.ge [sflag:s5], $0x500  }
0x66: {  	s23 =	sadd.s32 $0xFFFFFFFF, s31;
	[sflag:s5] =	ssyncset.done $0x0  }
.LBB2_1:
0x67: {  	p0 =	sne.s32 s23, $0x1;
	s23 =	sadd.s32 $0xFFFFFFFF, s23;
	[sflag:s5] =	ssyncadd.s32 $0xFFFFFB00  }
0x68: {  	[tilespmem:s6], [sflag:$0x1] =	stream.linear.gather [hbm4b:s4+s3], $0x7D00, $0x38;
	[tilespmem:$0xACD0] =	vst v63  }
0x69: {  	_ =	swait.ge [sflag:s5], $0x7D00  }
0x6a: {  	[sflag:s5] =	ssyncset.done $0x0  }
0x6b: {  	[sflag:s5] =	ssyncadd.s32 $0xFFFF8300  }
0x6c: {  	[spmem:s9], [sflag:s8] =	dma.local [hbm:s7], $0x500  }
0x6d: {  	_ =	swait.ge [sflag:s5], $0x500  }
0x6e: {  	[sflag:s5] =	ssyncset.done $0x0  }
0x6f: {  	[sflag:s5] =	ssyncadd.s32 $0xFFFFFB00  }
0x70: {  	[bflag:$0x0] =	sbarrier.arrive $0xFFFF  }
0x71: {  	[tilespmem:s11], [sflag:$0x1] =	stream.linear.gather [hbm4b:s10+s3], $0x7D0, $0x38;
	[tilespmem:$0xACD0] =	vst v63  }
0x72: {  	_ =	swait.ge [sflag:s5], $0x7D0  }
0x73: {  	[sflag:s5] =	ssyncset.done $0x0  }
0x74: {  	[sflag:s5] =	ssyncadd.s32 $0xFFFFF830  }
0x75: {  	[spmem:s2] =	stream.indirect.scatter.add.f32 [tilespmem:s6], [sflag:$0x1], $0x10, s11, s12, $0xb8;
	[tilespmem:$0xACD0] =	vst v63  }
0x76: {  	_ =	swait.ge [sflag:s5], $0x7D00  }
0x77: {  	[sflag:s5] =	ssyncset.done $0x0  }
0x78: {  	[sflag:s5] =	ssyncadd.s32 $0xFFFF8300  }
0x79: {  	[tilespmem:s11], [sflag:$0x1] =	stream.linear.gather [hbm4b:s13+s3], $0x7D0, $0x38;
	[tilespmem:$0xACD0] =	vst v63  }
0x7a: {  	_ =	swait.ge [sflag:s5], $0x7D0  }
0x7b: {  	[sflag:s5] =	ssyncset.done $0x0  }
0x7c: {  	[sflag:s5] =	ssyncadd.s32 $0xFFFFF830  }
0x7d: {  	[spmem:s2] =	stream.indirect.scatter.add.f32 [tilespmem:s6], [sflag:$0x1], $0x10, s11, s12, $0xb8;
	[tilespmem:$0xACD0] =	vst v63  }
0x7e: {  	_ =	swait.ge [sflag:s5], $0x7D00  }
0x7f: {  	[sflag:s5] =	ssyncset.done $0x0  }
0x80: {  	[sflag:s5] =	ssyncadd.s32 $0xFFFF8300  }
0x81: {  	[tilespmem:s11], [sflag:$0x1] =	stream.linear.gather [hbm4b:s14+s3], $0x7D0, $0x38;
	[tilespmem:$0xACD0] =	vst v63  }
0x82: {  	_ =	swait.ge [sflag:s5], $0x7D0  }
0x83: {  	[sflag:s5] =	ssyncset.done $0x0  }
0x84: {  	[sflag:s5] =	ssyncadd.s32 $0xFFFFF830  }
0x85: {  	[spmem:s2] =	stream.indirect.scatter.add.f32 [tilespmem:s6], [sflag:$0x1], $0x10, s11, s12, $0xb8;
	[tilespmem:$0xACD0] =	vst v63  }
0x86: {  	_ =	swait.ge [sflag:s5], $0x7D00  }
0x87: {  	[sflag:s5] =	ssyncset.done $0x0  }
0x88: {  	[sflag:s5] =	ssyncadd.s32 $0xFFFF8300  }
0x89: {  	[tilespmem:s11], [sflag:$0x1] =	stream.linear.gather [hbm4b:s15+s3], $0x7D0, $0x38;
	[tilespmem:$0xACD0] =	vst v63  }
0x8a: {  	_ =	swait.ge [sflag:s5], $0x7D0  }
0x8b: {  	[sflag:s5] =	ssyncset.done $0x0  }
0x8c: {  	[sflag:s5] =	ssyncadd.s32 $0xFFFFF830  }
0x8d: {  	[spmem:s2] =	stream.indirect.scatter.add.f32 [tilespmem:s6], [sflag:$0x1], $0x10, s11, s12, $0xb8;
	[tilespmem:$0xACD0] =	vst v63  }
0x8e: {  	_ =	swait.ge [sflag:s5], $0x7D00  }
0x8f: {  	[sflag:s5] =	ssyncset.done $0x0  }
0x90: {  	[sflag:s5] =	ssyncadd.s32 $0xFFFF8300  }
0x91: {  	[tilespmem:s11], [sflag:$0x1] =	stream.linear.gather [hbm4b:s16+s3], $0x7D0, $0x38;
	[tilespmem:$0xACD0] =	vst v63  }
0x92: {  	_ =	swait.ge [sflag:s5], $0x7D0  }
0x93: {  	[sflag:s5] =	ssyncset.done $0x0  }
0x94: {  	[sflag:s5] =	ssyncadd.s32 $0xFFFFF830  }
0x95: {  	[spmem:s2] =	stream.indirect.scatter.add.f32 [tilespmem:s6], [sflag:$0x1], $0x10, s11, s12, $0xb8;
	[tilespmem:$0xACD0] =	vst v63  }
0x96: {  	_ =	swait.ge [sflag:s5], $0x7D00  }
0x97: {  	[sflag:s5] =	ssyncset.done $0x0  }
0x98: {  	[sflag:s5] =	ssyncadd.s32 $0xFFFF8300  }
0x99: {  	[tilespmem:s11], [sflag:$0x1] =	stream.linear.gather [hbm4b:s17+s3], $0x7D0, $0x38;
	[tilespmem:$0xACD0] =	vst v63  }
0x9a: {  	_ =	swait.ge [sflag:s5], $0x7D0  }
0x9b: {  	[sflag:s5] =	ssyncset.done $0x0  }
0x9c: {  	[sflag:s5] =	ssyncadd.s32 $0xFFFFF830  }
0x9d: {  	[spmem:s2] =	stream.indirect.scatter.add.f32 [tilespmem:s6], [sflag:$0x1], $0x10, s11, s12, $0xb8;
	[tilespmem:$0xACD0] =	vst v63  }
0x9e: {  	_ =	swait.ge [sflag:s5], $0x7D00  }
0x9f: {  	[sflag:s5] =	ssyncset.done $0x0  }
0xa0: {  	[sflag:s5] =	ssyncadd.s32 $0xFFFF8300  }
0xa1: {  	[tilespmem:s11], [sflag:$0x1] =	stream.linear.gather [hbm4b:s18+s3], $0x7D0, $0x38;
	[tilespmem:$0xACD0] =	vst v63  }
0xa2: {  	_ =	swait.ge [sflag:s5], $0x7D0  }
0xa3: {  	[sflag:s5] =	ssyncset.done $0x0  }
0xa4: {  	[sflag:s5] =	ssyncadd.s32 $0xFFFFF830  }
0xa5: {  	[spmem:s2] =	stream.indirect.scatter.add.f32 [tilespmem:s6], [sflag:$0x1], $0x10, s11, s12, $0xb8;
	[tilespmem:$0xACD0] =	vst v63  }
0xa6: {  	_ =	swait.ge [sflag:s5], $0x7D00  }
0xa7: {  	[sflag:s5] =	ssyncset.done $0x0  }
0xa8: {  	[sflag:s5] =	ssyncadd.s32 $0xFFFF8300  }
0xa9: {  	[tilespmem:s11], [sflag:$0x1] =	stream.linear.gather [hbm4b:s19+s3], $0x7D0, $0x38;
	[tilespmem:$0xACD0] =	vst v63  }
0xaa: {  	_ =	swait.ge [sflag:s5], $0x7D0  }
0xab: {  	[sflag:s5] =	ssyncset.done $0x0  }
0xac: {  	[sflag:s5] =	ssyncadd.s32 $0xFFFFF830  }
0xad: {  	[spmem:s2] =	stream.indirect.scatter.add.f32 [tilespmem:s6], [sflag:$0x1], $0x10, s11, s12, $0xb8;
	[tilespmem:$0xACD0] =	vst v63  }
0xae: {  	_ =	swait.ge [sflag:s5], $0x7D00  }
0xaf: {  	[sflag:s5] =	ssyncset.done $0x0  }
0xb0: {  	[sflag:s5] =	ssyncadd.s32 $0xFFFF8300  }
0xb1: {  	[tilespmem:s11], [sflag:$0x1] =	stream.linear.gather [hbm4b:s20+s3], $0x7D0, $0x38;
	[tilespmem:$0xACD0] =	vst v63  }
0xb2: {  	_ =	swait.ge [sflag:s5], $0x7D0  }
0xb3: {  	[sflag:s5] =	ssyncset.done $0x0  }
0xb4: {  	[sflag:s5] =	ssyncadd.s32 $0xFFFFF830  }
0xb5: {  	[spmem:s2] =	stream.indirect.scatter.add.f32 [tilespmem:s6], [sflag:$0x1], $0x10, s11, s12, $0xb8;
	[tilespmem:$0xACD0] =	vst v63  }
0xb6: {  	_ =	swait.ge [sflag:s5], $0x7D00  }
0xb7: {  	[sflag:s5] =	ssyncset.done $0x0  }
0xb8: {  	[sflag:s5] =	ssyncadd.s32 $0xFFFF8300  }
0xb9: {  	[tilespmem:s11], [sflag:$0x1] =	stream.linear.gather [hbm4b:s21+s3], $0x7D0, $0x38;
	[tilespmem:$0xACD0] =	vst v63  }
0xba: {  	_ =	swait.ge [sflag:s5], $0x7D0  }
0xbb: {  	[sflag:s5] =	ssyncset.done $0x0  }
0xbc: {  	[sflag:s5] =	ssyncadd.s32 $0xFFFFF830  }
0xbd: {  	[spmem:s2] =	stream.indirect.scatter.add.f32 [tilespmem:s6], [sflag:$0x1], $0x10, s11, s12, $0xb8;
	[tilespmem:$0xACD0] =	vst v63  }
0xbe: {  	_ =	swait.ge [sflag:s5], $0x7D00  }
0xbf: {  	[sflag:s5] =	ssyncset.done $0x0  }
.Ltmp1:
0xc0: {  	[sflag:s5] =	ssyncadd.s32 $0xFFFF8300;
	(pc) =	sbr.rel @p0 .LBB2_1-.Ltmp1, $4  }
0xc1: {  	[bflag:$0x0] =	sbarrier.arrive $0xFFFF  }
0xc2: {  	[hbm:s22], [sflag:s8] =	dma.local [spmem:s9], $0x500  }
0xc3: {  	_ =	swait.ge [sflag:s5], $0x500  }
0xc4: {  	[sflag:s5] =	ssyncset.done $0x0  }
.LBB2_2:
0xc5: {  	[sflag:s5] =	ssyncadd.s32 $0xFFFFFB00  }
0xc6: {  	_ =	sfence.sel $0x180000  }
0xc7: {  	[bflag:$0x0] =	sbarrier.arrive $0xFFFF  }
0xc8: {  	p0 =	sne.s32 s1, $0x0;
	_ =	strace $0x90000047  }
0xc9: {  	s0 =	sadd.s32 @!p0 $0x100000, s0;
	[bflag:$0x2] =	sbarrier.arrive $0xFFFF  }
0xca: {  	[sflag:s0] =	ssyncadd.tile.s32 @!p0 $0x1;
	_ =	shalt  }
.Lfunc_end2:
_tile_overlayer_lowered:
.L_overlay_start_2:
0xcb: {  	(tag) =	ssettag $0x2  }
0xcc: {  	s0 =	rddreg [dreg:$0x0];
	s2 =	stileid.u32  }
0xcd: {  	s1 =	rddreg [dreg:$0x1];
	p0 =	sne.s32 s2, $0x0  }
0xce: {  	s3 =	rddreg [dreg:$0x2];
	[bflag:$0x3] =	sbarrier.arrive $0xFFFF;
	s2 =	simm.s32 @!p0 $0x1C01  }
0xcf: {  	[timem:s3], [sflag:s2] =	dma.local @!p0 [hbm:s0], s1  }
0xd0: {  	s0 =	simm.s32 @!p0 $0x1  }
0xd1: {  	_ =	swait.ge @!p0 [sflag:s0], s1  }
0xd2: {  	s1 =	ssub.s32 @!p0 $0x0, s1;
	[sflag:s0] =	ssyncset.done @!p0 $0x0  }
0xd3: {  	[sflag:s0] =	ssyncadd.s32 @!p0 s1  }
0xd4: {  	[bflag:$0x3] =	sbarrier.arrive $0xFFFF  }
0xd5: {  	_ =	shalt  }

</sc_bundles>
